<compile_context>
chip_gen: v7x
topology: tpu7x:2x2x1
jax: 0.10.2.dev20260603
libtpu: 0.0.44.dev20260713+nightly
codegen_flags: <defaults>
</compile_context>

<pallas_src>
import functools

import jax
import jax.numpy as jnp
from jax import lax
from jax.experimental import pallas as pl
from jax.experimental.pallas import tpu as pltpu
from jax.experimental.pallas import tpu_sc as plsc

_INFO = plsc.get_sparse_core_info()
_NC, _NS = _INFO.num_cores, _INFO.num_subcores
_NW = _NC * _NS
_CHUNK = 128


@functools.partial(jax.jit, static_argnums=(3, 4))
def _gather_sc(idx, pe_x, pe_y, b_per_w, nchunk):
    B = idx.shape[1] * idx.shape[2] * idx.shape[3]
    D = pe_x.shape[1]
    mesh = plsc.VectorSubcoreMesh(core_axis_name="c", subcore_axis_name="s")

    @functools.partial(
        pl.kernel,
        mesh=mesh,
        compiler_params=pltpu.CompilerParams(use_tc_tiling_on_sc=False),
        out_type=[
            jax.ShapeDtypeStruct((B, D), jnp.float32),
            jax.ShapeDtypeStruct((B, D), jnp.float32),
        ],
        scratch_types=[
            pltpu.VMEM((nchunk, _CHUNK), jnp.int32),
            pltpu.VMEM((nchunk, _CHUNK), jnp.int32),
            pltpu.VMEM((b_per_w, D), jnp.float32),
            pltpu.VMEM((b_per_w, D), jnp.float32),
            pltpu.SemaphoreType.DMA,
        ],
    )
    def k(idx_hbm, pe_x_hbm, pe_y_hbm, out_x_hbm, out_y_hbm,
          idxx_v, idxy_v, rowsx_v, rowsy_v, sem):
        wid = lax.axis_index("s") * _NC + lax.axis_index("c")
        base = wid * b_per_w
        pltpu.sync_copy(idx_hbm.at[0, wid], idxx_v)
        pltpu.sync_copy(idx_hbm.at[1, wid], idxy_v)
        copies = []
        for j in range(nchunk):
            copies.append(pltpu.async_copy(
                pe_x_hbm.at[idxx_v.at[j]],
                rowsx_v.at[pl.ds(j * _CHUNK, _CHUNK)], sem))
            copies.append(pltpu.async_copy(
                pe_y_hbm.at[idxy_v.at[j]],
                rowsy_v.at[pl.ds(j * _CHUNK, _CHUNK)], sem))
        for c in copies:
            c.wait()
        pltpu.sync_copy(rowsx_v, out_x_hbm.at[pl.ds(base, b_per_w)])
        pltpu.sync_copy(rowsy_v, out_y_hbm.at[pl.ds(base, b_per_w)])

    return k(idx, pe_x, pe_y)


def kernel(xy_tensor, pe_x, pe_y):
    B = xy_tensor.shape[-1]
    b_per_w = B // _NW
    nchunk = b_per_w // _CHUNK
    idx = xy_tensor.reshape(2, _NW, nchunk, _CHUNK)
    return tuple(_gather_sc(idx, pe_x, pe_y, b_per_w, nchunk))

# --- scband reference (transcript-rebuilt; emitter-appended) ---
"""Pipeline reference for scband-positional-encoder-32358283608666 (READ-ONLY COPY).

The authoritative reference and input builder live on the scoring server;
editing this copy changes nothing except your own understanding.
"""

import jax, jax.numpy as jnp
import numpy as np

MX, MY, DIMS, B = 100000, 100000, 16, 16384

def _build_pe(mx, dims):
    # Faithful vectorization of the torch loop:
    #   pe[pos, i]   = sin(pos / 10000 ** (2*i/dims))      for even i
    #   pe[pos, i+1] = cos(pos / 10000 ** (2*(i+1)/dims))
    pos = np.arange(mx, dtype=np.float64)[:, None]
    i_even = np.arange(0, dims, 2, dtype=np.float64)
    pe = np.zeros((mx, dims), dtype=np.float64)
    pe[:, 0::2] = np.sin(pos / (10000.0 ** (2.0 * i_even / dims)))
    pe[:, 1::2] = np.cos(pos / (10000.0 ** (2.0 * (i_even + 1.0) / dims)))
    return jnp.asarray(pe, dtype=jnp.float32)


def setup_inputs(seed: int = 0) -> dict:
    key = jax.random.key(seed)
    xy_tensor = jax.random.randint(key, (1, 2, B), 0, MX, dtype=jnp.int32)
    pe_x = _build_pe(MX, DIMS)
    pe_y = _build_pe(MY, DIMS)
    return {"xy_tensor": xy_tensor, "pe_x": pe_x, "pe_y": pe_y}


def reference(xy_tensor, pe_x, pe_y):
    # forward: x = xy_tensor[0][0]; y = xy_tensor[0][1]
    # returns (pe_x[x, :], pe_y[y, :]) -- a pure row-gather (embedding lookup)
    x = xy_tensor[0][0]
    y = xy_tensor[0][1]
    out_x = jnp.take(pe_x, x, axis=0)
    out_y = jnp.take(pe_y, y, axis=0)
    return (out_x, out_y)

if __name__ == "__main__":
    import jax
    _d = setup_inputs()
    print(jax.jit(kernel)(*tuple(_d.values())))

</pallas_src>

<mosaic_0001>
#map = affine_map<(d0, d1) -> (0, 0, 0, 0)>
#map1 = affine_map<(d0, d1) -> (0, 0)>
module attributes {stable_mosaic.version = 14 : i64} {
  func.func @k(%arg0: i32, %arg1: i32, %arg2: memref<2x32x4x128xi32, #tpu.memory_space<hbm>>, %arg3: memref<100000x16xf32, #tpu.memory_space<hbm>>, %arg4: memref<100000x16xf32, #tpu.memory_space<hbm>>, %arg5: memref<16384x16xf32, #tpu.memory_space<hbm>>, %arg6: memref<16384x16xf32, #tpu.memory_space<hbm>>, %arg7: memref<4x128xi32, #tpu.memory_space<vmem>>, %arg8: memref<4x128xi32, #tpu.memory_space<vmem>>, %arg9: memref<512x16xf32, #tpu.memory_space<vmem>>, %arg10: memref<512x16xf32, #tpu.memory_space<vmem>>, %arg11: memref<!tpu.dma_semaphore, #tpu.memory_space<semaphore_mem>>) attributes {dimension_semantics = [#tpu.dimension_semantics<core_parallel>, #tpu.dimension_semantics<subcore_parallel>], iteration_bounds = array<i64: 2, 16>, scalar_prefetch = 0 : i64, scratch_operands = 5 : i64, tpu.core_type = #tpu.core_type<sc_vector_subcore>, window_params = [{transform_indices = #map}, {transform_indices = #map1}, {transform_indices = #map1}, {transform_indices = #map1}, {transform_indices = #map1}]} {
    %mul3A = arith.constant 2 : i32
    %mul3A_0 = arith.muli %arg1, %mul3A : i32
    %add3A = arith.addi %mul3A_0, %arg0 : i32
    %mul3A_1 = arith.constant 512 : i32
    %mul3A_2 = arith.muli %add3A, %mul3A_1 : i32
    %run_scoped3A = arith.constant 0 : i32
    "tpu.region"() ({
      %run_scoped3A_162 = tpu.sem_alloc : memref<!tpu.dma_semaphore, #tpu.memory_space<semaphore_mem>>
      %dma_start3A_163 = arith.constant 0 : i32
      %dma_start3A_164 = arith.constant 0 : i32
      %dma_start3A_165 = tpu.memref_slice %arg2[%run_scoped3A, %add3A, %dma_start3A_163, %dma_start3A_164] : memref<2x32x4x128xi32, #tpu.memory_space<hbm>> -> memref<1x1x4x128xi32, #tpu.memory_space<hbm>>
      %dma_start3A_166 = tpu.memref_squeeze %dma_start3A_165 : memref<1x1x4x128xi32, #tpu.memory_space<hbm>> -> memref<4x128xi32, #tpu.memory_space<hbm>>
      %dma_start3A_167 = arith.constant 0 : i32
      %dma_start3A_168 = arith.constant 0 : i32
      %dma_start3A_169 = tpu.memref_slice %arg2[%run_scoped3A, %add3A, %dma_start3A_167, %dma_start3A_168] : memref<2x32x4x128xi32, #tpu.memory_space<hbm>> -> memref<1x1x4x128xi32, #tpu.memory_space<hbm>>
      %dma_start3A_170 = tpu.memref_squeeze %dma_start3A_169 : memref<1x1x4x128xi32, #tpu.memory_space<hbm>> -> memref<4x128xi32, #tpu.memory_space<hbm>>
      tpu.enqueue_dma source(%dma_start3A_170 : memref<4x128xi32, #tpu.memory_space<hbm>>) target(%arg7 : memref<4x128xi32, #tpu.memory_space<vmem>>) target_semaphore(%run_scoped3A_162 : memref<!tpu.dma_semaphore, #tpu.memory_space<semaphore_mem>>)
      %dma_wait3A_171 = arith.constant 0 : i32
      %dma_wait3A_172 = arith.constant 0 : i32
      %dma_wait3A_173 = tpu.memref_slice %arg2[%run_scoped3A, %add3A, %dma_wait3A_171, %dma_wait3A_172] : memref<2x32x4x128xi32, #tpu.memory_space<hbm>> -> memref<1x1x4x128xi32, #tpu.memory_space<hbm>>
      %dma_wait3A_174 = tpu.memref_squeeze %dma_wait3A_173 : memref<1x1x4x128xi32, #tpu.memory_space<hbm>> -> memref<4x128xi32, #tpu.memory_space<hbm>>
      %dma_wait3A_175 = arith.constant 0 : i32
      %dma_wait3A_176 = arith.constant 0 : i32
      %dma_wait3A_177 = tpu.memref_slice %arg2[%run_scoped3A, %add3A, %dma_wait3A_175, %dma_wait3A_176] : memref<2x32x4x128xi32, #tpu.memory_space<hbm>> -> memref<1x1x4x128xi32, #tpu.memory_space<hbm>>
      %dma_wait3A_178 = tpu.memref_squeeze %dma_wait3A_177 : memref<1x1x4x128xi32, #tpu.memory_space<hbm>> -> memref<4x128xi32, #tpu.memory_space<hbm>>
      tpu.wait_dma2 semaphore(%run_scoped3A_162 : memref<!tpu.dma_semaphore, #tpu.memory_space<semaphore_mem>>) src(%dma_wait3A_178 : memref<4x128xi32, #tpu.memory_space<hbm>>) dst(%arg7 : memref<4x128xi32, #tpu.memory_space<vmem>>)
      tpu.yield
    }) : () -> ()
    %run_scoped3A_3 = arith.constant 1 : i32
    "tpu.region"() ({
      %run_scoped3A_162 = tpu.sem_alloc : memref<!tpu.dma_semaphore, #tpu.memory_space<semaphore_mem>>
      %dma_start3A_163 = arith.constant 0 : i32
      %dma_start3A_164 = arith.constant 0 : i32
      %dma_start3A_165 = tpu.memref_slice %arg2[%run_scoped3A_3, %add3A, %dma_start3A_163, %dma_start3A_164] : memref<2x32x4x128xi32, #tpu.memory_space<hbm>> -> memref<1x1x4x128xi32, #tpu.memory_space<hbm>>
      %dma_start3A_166 = tpu.memref_squeeze %dma_start3A_165 : memref<1x1x4x128xi32, #tpu.memory_space<hbm>> -> memref<4x128xi32, #tpu.memory_space<hbm>>
      %dma_start3A_167 = arith.constant 0 : i32
      %dma_start3A_168 = arith.constant 0 : i32
      %dma_start3A_169 = tpu.memref_slice %arg2[%run_scoped3A_3, %add3A, %dma_start3A_167, %dma_start3A_168] : memref<2x32x4x128xi32, #tpu.memory_space<hbm>> -> memref<1x1x4x128xi32, #tpu.memory_space<hbm>>
      %dma_start3A_170 = tpu.memref_squeeze %dma_start3A_169 : memref<1x1x4x128xi32, #tpu.memory_space<hbm>> -> memref<4x128xi32, #tpu.memory_space<hbm>>
      tpu.enqueue_dma source(%dma_start3A_170 : memref<4x128xi32, #tpu.memory_space<hbm>>) target(%arg8 : memref<4x128xi32, #tpu.memory_space<vmem>>) target_semaphore(%run_scoped3A_162 : memref<!tpu.dma_semaphore, #tpu.memory_space<semaphore_mem>>)
      %dma_wait3A_171 = arith.constant 0 : i32
      %dma_wait3A_172 = arith.constant 0 : i32
      %dma_wait3A_173 = tpu.memref_slice %arg2[%run_scoped3A_3, %add3A, %dma_wait3A_171, %dma_wait3A_172] : memref<2x32x4x128xi32, #tpu.memory_space<hbm>> -> memref<1x1x4x128xi32, #tpu.memory_space<hbm>>
      %dma_wait3A_174 = tpu.memref_squeeze %dma_wait3A_173 : memref<1x1x4x128xi32, #tpu.memory_space<hbm>> -> memref<4x128xi32, #tpu.memory_space<hbm>>
      %dma_wait3A_175 = arith.constant 0 : i32
      %dma_wait3A_176 = arith.constant 0 : i32
      %dma_wait3A_177 = tpu.memref_slice %arg2[%run_scoped3A_3, %add3A, %dma_wait3A_175, %dma_wait3A_176] : memref<2x32x4x128xi32, #tpu.memory_space<hbm>> -> memref<1x1x4x128xi32, #tpu.memory_space<hbm>>
      %dma_wait3A_178 = tpu.memref_squeeze %dma_wait3A_177 : memref<1x1x4x128xi32, #tpu.memory_space<hbm>> -> memref<4x128xi32, #tpu.memory_space<hbm>>
      tpu.wait_dma2 semaphore(%run_scoped3A_162 : memref<!tpu.dma_semaphore, #tpu.memory_space<semaphore_mem>>) src(%dma_wait3A_178 : memref<4x128xi32, #tpu.memory_space<hbm>>) dst(%arg8 : memref<4x128xi32, #tpu.memory_space<vmem>>)
      tpu.yield
    }) : () -> ()
    %dma_start3A = arith.constant 0 : i32
    %dma_start3A_4 = arith.constant 0 : i32
    %dma_start3A_5 = arith.constant 0 : i32
    %dma_start3A_6 = tpu.memref_slice %arg9[%dma_start3A_4, %dma_start3A_5] : memref<512x16xf32, #tpu.memory_space<vmem>> -> memref<128x16xf32, #tpu.memory_space<vmem>>
    %dma_start3A_7 = arith.constant 0 : i32
    %dma_start3A_8 = tpu.memref_slice %arg7[%dma_start3A, %dma_start3A_7] : memref<4x128xi32, #tpu.memory_space<vmem>> -> memref<1x128xi32, #tpu.memory_space<vmem>>
    %dma_start3A_9 = tpu.memref_squeeze %dma_start3A_8 : memref<1x128xi32, #tpu.memory_space<vmem>> -> memref<128xi32, #tpu.memory_space<vmem>>
    %dma_start3A_10 = arith.constant 0 : i32
    %dma_start3A_11 = arith.constant 0 : i32
    %dma_start3A_12 = tpu.memref_slice %arg3[%dma_start3A_10, %dma_start3A_11] : memref<100000x16xf32, #tpu.memory_space<hbm>> -> memref<100000x16xf32, #tpu.memory_space<hbm>>
    tpu.enqueue_indirect_dma source(%dma_start3A_12 : memref<100000x16xf32, #tpu.memory_space<hbm>>) target(%dma_start3A_6 : memref<128x16xf32, #tpu.memory_space<vmem>>) offsets(%dma_start3A_9 : memref<128xi32, #tpu.memory_space<vmem>>) semaphore(%arg11 : memref<!tpu.dma_semaphore, #tpu.memory_space<semaphore_mem>>)
    %dma_start3A_13 = arith.constant 0 : i32
    %dma_start3A_14 = arith.constant 0 : i32
    %dma_start3A_15 = arith.constant 0 : i32
    %dma_start3A_16 = tpu.memref_slice %arg10[%dma_start3A_14, %dma_start3A_15] : memref<512x16xf32, #tpu.memory_space<vmem>> -> memref<128x16xf32, #tpu.memory_space<vmem>>
    %dma_start3A_17 = arith.constant 0 : i32
    %dma_start3A_18 = tpu.memref_slice %arg8[%dma_start3A_13, %dma_start3A_17] : memref<4x128xi32, #tpu.memory_space<vmem>> -> memref<1x128xi32, #tpu.memory_space<vmem>>
    %dma_start3A_19 = tpu.memref_squeeze %dma_start3A_18 : memref<1x128xi32, #tpu.memory_space<vmem>> -> memref<128xi32, #tpu.memory_space<vmem>>
    %dma_start3A_20 = arith.constant 0 : i32
    %dma_start3A_21 = arith.constant 0 : i32
    %dma_start3A_22 = tpu.memref_slice %arg4[%dma_start3A_20, %dma_start3A_21] : memref<100000x16xf32, #tpu.memory_space<hbm>> -> memref<100000x16xf32, #tpu.memory_space<hbm>>
    tpu.enqueue_indirect_dma source(%dma_start3A_22 : memref<100000x16xf32, #tpu.memory_space<hbm>>) target(%dma_start3A_16 : memref<128x16xf32, #tpu.memory_space<vmem>>) offsets(%dma_start3A_19 : memref<128xi32, #tpu.memory_space<vmem>>) semaphore(%arg11 : memref<!tpu.dma_semaphore, #tpu.memory_space<semaphore_mem>>)
    %dma_start3A_23 = arith.constant 1 : i32
    %dma_start3A_24 = arith.constant 128 : i32
    %dma_start3A_25 = arith.constant 0 : i32
    %dma_start3A_26 = tpu.memref_slice %arg9[%dma_start3A_24, %dma_start3A_25] : memref<512x16xf32, #tpu.memory_space<vmem>> -> memref<128x16xf32, #tpu.memory_space<vmem>>
    %dma_start3A_27 = arith.constant 0 : i32
    %dma_start3A_28 = tpu.memref_slice %arg7[%dma_start3A_23, %dma_start3A_27] : memref<4x128xi32, #tpu.memory_space<vmem>> -> memref<1x128xi32, #tpu.memory_space<vmem>>
    %dma_start3A_29 = tpu.memref_squeeze %dma_start3A_28 : memref<1x128xi32, #tpu.memory_space<vmem>> -> memref<128xi32, #tpu.memory_space<vmem>>
    %dma_start3A_30 = arith.constant 0 : i32
    %dma_start3A_31 = arith.constant 0 : i32
    %dma_start3A_32 = tpu.memref_slice %arg3[%dma_start3A_30, %dma_start3A_31] : memref<100000x16xf32, #tpu.memory_space<hbm>> -> memref<100000x16xf32, #tpu.memory_space<hbm>>
    tpu.enqueue_indirect_dma source(%dma_start3A_32 : memref<100000x16xf32, #tpu.memory_space<hbm>>) target(%dma_start3A_26 : memref<128x16xf32, #tpu.memory_space<vmem>>) offsets(%dma_start3A_29 : memref<128xi32, #tpu.memory_space<vmem>>) semaphore(%arg11 : memref<!tpu.dma_semaphore, #tpu.memory_space<semaphore_mem>>)
    %dma_start3A_33 = arith.constant 1 : i32
    %dma_start3A_34 = arith.constant 128 : i32
    %dma_start3A_35 = arith.constant 0 : i32
    %dma_start3A_36 = tpu.memref_slice %arg10[%dma_start3A_34, %dma_start3A_35] : memref<512x16xf32, #tpu.memory_space<vmem>> -> memref<128x16xf32, #tpu.memory_space<vmem>>
    %dma_start3A_37 = arith.constant 0 : i32
    %dma_start3A_38 = tpu.memref_slice %arg8[%dma_start3A_33, %dma_start3A_37] : memref<4x128xi32, #tpu.memory_space<vmem>> -> memref<1x128xi32, #tpu.memory_space<vmem>>
    %dma_start3A_39 = tpu.memref_squeeze %dma_start3A_38 : memref<1x128xi32, #tpu.memory_space<vmem>> -> memref<128xi32, #tpu.memory_space<vmem>>
    %dma_start3A_40 = arith.constant 0 : i32
    %dma_start3A_41 = arith.constant 0 : i32
    %dma_start3A_42 = tpu.memref_slice %arg4[%dma_start3A_40, %dma_start3A_41] : memref<100000x16xf32, #tpu.memory_space<hbm>> -> memref<100000x16xf32, #tpu.memory_space<hbm>>
    tpu.enqueue_indirect_dma source(%dma_start3A_42 : memref<100000x16xf32, #tpu.memory_space<hbm>>) target(%dma_start3A_36 : memref<128x16xf32, #tpu.memory_space<vmem>>) offsets(%dma_start3A_39 : memref<128xi32, #tpu.memory_space<vmem>>) semaphore(%arg11 : memref<!tpu.dma_semaphore, #tpu.memory_space<semaphore_mem>>)
    %dma_start3A_43 = arith.constant 2 : i32
    %dma_start3A_44 = arith.constant 256 : i32
    %dma_start3A_45 = arith.constant 0 : i32
    %dma_start3A_46 = tpu.memref_slice %arg9[%dma_start3A_44, %dma_start3A_45] : memref<512x16xf32, #tpu.memory_space<vmem>> -> memref<128x16xf32, #tpu.memory_space<vmem>>
    %dma_start3A_47 = arith.constant 0 : i32
    %dma_start3A_48 = tpu.memref_slice %arg7[%dma_start3A_43, %dma_start3A_47] : memref<4x128xi32, #tpu.memory_space<vmem>> -> memref<1x128xi32, #tpu.memory_space<vmem>>
    %dma_start3A_49 = tpu.memref_squeeze %dma_start3A_48 : memref<1x128xi32, #tpu.memory_space<vmem>> -> memref<128xi32, #tpu.memory_space<vmem>>
    %dma_start3A_50 = arith.constant 0 : i32
    %dma_start3A_51 = arith.constant 0 : i32
    %dma_start3A_52 = tpu.memref_slice %arg3[%dma_start3A_50, %dma_start3A_51] : memref<100000x16xf32, #tpu.memory_space<hbm>> -> memref<100000x16xf32, #tpu.memory_space<hbm>>
    tpu.enqueue_indirect_dma source(%dma_start3A_52 : memref<100000x16xf32, #tpu.memory_space<hbm>>) target(%dma_start3A_46 : memref<128x16xf32, #tpu.memory_space<vmem>>) offsets(%dma_start3A_49 : memref<128xi32, #tpu.memory_space<vmem>>) semaphore(%arg11 : memref<!tpu.dma_semaphore, #tpu.memory_space<semaphore_mem>>)
    %dma_start3A_53 = arith.constant 2 : i32
    %dma_start3A_54 = arith.constant 256 : i32
    %dma_start3A_55 = arith.constant 0 : i32
    %dma_start3A_56 = tpu.memref_slice %arg10[%dma_start3A_54, %dma_start3A_55] : memref<512x16xf32, #tpu.memory_space<vmem>> -> memref<128x16xf32, #tpu.memory_space<vmem>>
    %dma_start3A_57 = arith.constant 0 : i32
    %dma_start3A_58 = tpu.memref_slice %arg8[%dma_start3A_53, %dma_start3A_57] : memref<4x128xi32, #tpu.memory_space<vmem>> -> memref<1x128xi32, #tpu.memory_space<vmem>>
    %dma_start3A_59 = tpu.memref_squeeze %dma_start3A_58 : memref<1x128xi32, #tpu.memory_space<vmem>> -> memref<128xi32, #tpu.memory_space<vmem>>
    %dma_start3A_60 = arith.constant 0 : i32
    %dma_start3A_61 = arith.constant 0 : i32
    %dma_start3A_62 = tpu.memref_slice %arg4[%dma_start3A_60, %dma_start3A_61] : memref<100000x16xf32, #tpu.memory_space<hbm>> -> memref<100000x16xf32, #tpu.memory_space<hbm>>
    tpu.enqueue_indirect_dma source(%dma_start3A_62 : memref<100000x16xf32, #tpu.memory_space<hbm>>) target(%dma_start3A_56 : memref<128x16xf32, #tpu.memory_space<vmem>>) offsets(%dma_start3A_59 : memref<128xi32, #tpu.memory_space<vmem>>) semaphore(%arg11 : memref<!tpu.dma_semaphore, #tpu.memory_space<semaphore_mem>>)
    %dma_start3A_63 = arith.constant 3 : i32
    %dma_start3A_64 = arith.constant 384 : i32
    %dma_start3A_65 = arith.constant 0 : i32
    %dma_start3A_66 = tpu.memref_slice %arg9[%dma_start3A_64, %dma_start3A_65] : memref<512x16xf32, #tpu.memory_space<vmem>> -> memref<128x16xf32, #tpu.memory_space<vmem>>
    %dma_start3A_67 = arith.constant 0 : i32
    %dma_start3A_68 = tpu.memref_slice %arg7[%dma_start3A_63, %dma_start3A_67] : memref<4x128xi32, #tpu.memory_space<vmem>> -> memref<1x128xi32, #tpu.memory_space<vmem>>
    %dma_start3A_69 = tpu.memref_squeeze %dma_start3A_68 : memref<1x128xi32, #tpu.memory_space<vmem>> -> memref<128xi32, #tpu.memory_space<vmem>>
    %dma_start3A_70 = arith.constant 0 : i32
    %dma_start3A_71 = arith.constant 0 : i32
    %dma_start3A_72 = tpu.memref_slice %arg3[%dma_start3A_70, %dma_start3A_71] : memref<100000x16xf32, #tpu.memory_space<hbm>> -> memref<100000x16xf32, #tpu.memory_space<hbm>>
    tpu.enqueue_indirect_dma source(%dma_start3A_72 : memref<100000x16xf32, #tpu.memory_space<hbm>>) target(%dma_start3A_66 : memref<128x16xf32, #tpu.memory_space<vmem>>) offsets(%dma_start3A_69 : memref<128xi32, #tpu.memory_space<vmem>>) semaphore(%arg11 : memref<!tpu.dma_semaphore, #tpu.memory_space<semaphore_mem>>)
    %dma_start3A_73 = arith.constant 3 : i32
    %dma_start3A_74 = arith.constant 384 : i32
    %dma_start3A_75 = arith.constant 0 : i32
    %dma_start3A_76 = tpu.memref_slice %arg10[%dma_start3A_74, %dma_start3A_75] : memref<512x16xf32, #tpu.memory_space<vmem>> -> memref<128x16xf32, #tpu.memory_space<vmem>>
    %dma_start3A_77 = arith.constant 0 : i32
    %dma_start3A_78 = tpu.memref_slice %arg8[%dma_start3A_73, %dma_start3A_77] : memref<4x128xi32, #tpu.memory_space<vmem>> -> memref<1x128xi32, #tpu.memory_space<vmem>>
    %dma_start3A_79 = tpu.memref_squeeze %dma_start3A_78 : memref<1x128xi32, #tpu.memory_space<vmem>> -> memref<128xi32, #tpu.memory_space<vmem>>
    %dma_start3A_80 = arith.constant 0 : i32
    %dma_start3A_81 = arith.constant 0 : i32
    %dma_start3A_82 = tpu.memref_slice %arg4[%dma_start3A_80, %dma_start3A_81] : memref<100000x16xf32, #tpu.memory_space<hbm>> -> memref<100000x16xf32, #tpu.memory_space<hbm>>
    tpu.enqueue_indirect_dma source(%dma_start3A_82 : memref<100000x16xf32, #tpu.memory_space<hbm>>) target(%dma_start3A_76 : memref<128x16xf32, #tpu.memory_space<vmem>>) offsets(%dma_start3A_79 : memref<128xi32, #tpu.memory_space<vmem>>) semaphore(%arg11 : memref<!tpu.dma_semaphore, #tpu.memory_space<semaphore_mem>>)
    %dma_wait3A = arith.constant 0 : i32
    %dma_wait3A_83 = arith.constant 0 : i32
    %dma_wait3A_84 = arith.constant 0 : i32
    %dma_wait3A_85 = tpu.memref_slice %arg9[%dma_wait3A_83, %dma_wait3A_84] : memref<512x16xf32, #tpu.memory_space<vmem>> -> memref<128x16xf32, #tpu.memory_space<vmem>>
    %dma_wait3A_86 = arith.constant 0 : i32
    %dma_wait3A_87 = tpu.memref_slice %arg7[%dma_wait3A, %dma_wait3A_86] : memref<4x128xi32, #tpu.memory_space<vmem>> -> memref<1x128xi32, #tpu.memory_space<vmem>>
    %dma_wait3A_88 = tpu.memref_squeeze %dma_wait3A_87 : memref<1x128xi32, #tpu.memory_space<vmem>> -> memref<128xi32, #tpu.memory_space<vmem>>
    %dma_wait3A_89 = arith.constant 0 : i32
    %dma_wait3A_90 = arith.constant 0 : i32
    %dma_wait3A_91 = tpu.memref_slice %arg3[%dma_wait3A_89, %dma_wait3A_90] : memref<100000x16xf32, #tpu.memory_space<hbm>> -> memref<100000x16xf32, #tpu.memory_space<hbm>>
    tpu.wait_indirect_dma semaphore(%arg11 : memref<!tpu.dma_semaphore, #tpu.memory_space<semaphore_mem>>) src(%dma_wait3A_91 : memref<100000x16xf32, #tpu.memory_space<hbm>>) dst(%dma_wait3A_85 : memref<128x16xf32, #tpu.memory_space<vmem>>)
    %dma_wait3A_92 = arith.constant 0 : i32
    %dma_wait3A_93 = arith.constant 0 : i32
    %dma_wait3A_94 = arith.constant 0 : i32
    %dma_wait3A_95 = tpu.memref_slice %arg10[%dma_wait3A_93, %dma_wait3A_94] : memref<512x16xf32, #tpu.memory_space<vmem>> -> memref<128x16xf32, #tpu.memory_space<vmem>>
    %dma_wait3A_96 = arith.constant 0 : i32
    %dma_wait3A_97 = tpu.memref_slice %arg8[%dma_wait3A_92, %dma_wait3A_96] : memref<4x128xi32, #tpu.memory_space<vmem>> -> memref<1x128xi32, #tpu.memory_space<vmem>>
    %dma_wait3A_98 = tpu.memref_squeeze %dma_wait3A_97 : memref<1x128xi32, #tpu.memory_space<vmem>> -> memref<128xi32, #tpu.memory_space<vmem>>
    %dma_wait3A_99 = arith.constant 0 : i32
    %dma_wait3A_100 = arith.constant 0 : i32
    %dma_wait3A_101 = tpu.memref_slice %arg4[%dma_wait3A_99, %dma_wait3A_100] : memref<100000x16xf32, #tpu.memory_space<hbm>> -> memref<100000x16xf32, #tpu.memory_space<hbm>>
    tpu.wait_indirect_dma semaphore(%arg11 : memref<!tpu.dma_semaphore, #tpu.memory_space<semaphore_mem>>) src(%dma_wait3A_101 : memref<100000x16xf32, #tpu.memory_space<hbm>>) dst(%dma_wait3A_95 : memref<128x16xf32, #tpu.memory_space<vmem>>)
    %dma_wait3A_102 = arith.constant 1 : i32
    %dma_wait3A_103 = arith.constant 128 : i32
    %dma_wait3A_104 = arith.constant 0 : i32
    %dma_wait3A_105 = tpu.memref_slice %arg9[%dma_wait3A_103, %dma_wait3A_104] : memref<512x16xf32, #tpu.memory_space<vmem>> -> memref<128x16xf32, #tpu.memory_space<vmem>>
    %dma_wait3A_106 = arith.constant 0 : i32
    %dma_wait3A_107 = tpu.memref_slice %arg7[%dma_wait3A_102, %dma_wait3A_106] : memref<4x128xi32, #tpu.memory_space<vmem>> -> memref<1x128xi32, #tpu.memory_space<vmem>>
    %dma_wait3A_108 = tpu.memref_squeeze %dma_wait3A_107 : memref<1x128xi32, #tpu.memory_space<vmem>> -> memref<128xi32, #tpu.memory_space<vmem>>
    %dma_wait3A_109 = arith.constant 0 : i32
    %dma_wait3A_110 = arith.constant 0 : i32
    %dma_wait3A_111 = tpu.memref_slice %arg3[%dma_wait3A_109, %dma_wait3A_110] : memref<100000x16xf32, #tpu.memory_space<hbm>> -> memref<100000x16xf32, #tpu.memory_space<hbm>>
    tpu.wait_indirect_dma semaphore(%arg11 : memref<!tpu.dma_semaphore, #tpu.memory_space<semaphore_mem>>) src(%dma_wait3A_111 : memref<100000x16xf32, #tpu.memory_space<hbm>>) dst(%dma_wait3A_105 : memref<128x16xf32, #tpu.memory_space<vmem>>)
    %dma_wait3A_112 = arith.constant 1 : i32
    %dma_wait3A_113 = arith.constant 128 : i32
    %dma_wait3A_114 = arith.constant 0 : i32
    %dma_wait3A_115 = tpu.memref_slice %arg10[%dma_wait3A_113, %dma_wait3A_114] : memref<512x16xf32, #tpu.memory_space<vmem>> -> memref<128x16xf32, #tpu.memory_space<vmem>>
    %dma_wait3A_116 = arith.constant 0 : i32
    %dma_wait3A_117 = tpu.memref_slice %arg8[%dma_wait3A_112, %dma_wait3A_116] : memref<4x128xi32, #tpu.memory_space<vmem>> -> memref<1x128xi32, #tpu.memory_space<vmem>>
    %dma_wait3A_118 = tpu.memref_squeeze %dma_wait3A_117 : memref<1x128xi32, #tpu.memory_space<vmem>> -> memref<128xi32, #tpu.memory_space<vmem>>
    %dma_wait3A_119 = arith.constant 0 : i32
    %dma_wait3A_120 = arith.constant 0 : i32
    %dma_wait3A_121 = tpu.memref_slice %arg4[%dma_wait3A_119, %dma_wait3A_120] : memref<100000x16xf32, #tpu.memory_space<hbm>> -> memref<100000x16xf32, #tpu.memory_space<hbm>>
    tpu.wait_indirect_dma semaphore(%arg11 : memref<!tpu.dma_semaphore, #tpu.memory_space<semaphore_mem>>) src(%dma_wait3A_121 : memref<100000x16xf32, #tpu.memory_space<hbm>>) dst(%dma_wait3A_115 : memref<128x16xf32, #tpu.memory_space<vmem>>)
    %dma_wait3A_122 = arith.constant 2 : i32
    %dma_wait3A_123 = arith.constant 256 : i32
    %dma_wait3A_124 = arith.constant 0 : i32
    %dma_wait3A_125 = tpu.memref_slice %arg9[%dma_wait3A_123, %dma_wait3A_124] : memref<512x16xf32, #tpu.memory_space<vmem>> -> memref<128x16xf32, #tpu.memory_space<vmem>>
    %dma_wait3A_126 = arith.constant 0 : i32
    %dma_wait3A_127 = tpu.memref_slice %arg7[%dma_wait3A_122, %dma_wait3A_126] : memref<4x128xi32, #tpu.memory_space<vmem>> -> memref<1x128xi32, #tpu.memory_space<vmem>>
    %dma_wait3A_128 = tpu.memref_squeeze %dma_wait3A_127 : memref<1x128xi32, #tpu.memory_space<vmem>> -> memref<128xi32, #tpu.memory_space<vmem>>
    %dma_wait3A_129 = arith.constant 0 : i32
    %dma_wait3A_130 = arith.constant 0 : i32
    %dma_wait3A_131 = tpu.memref_slice %arg3[%dma_wait3A_129, %dma_wait3A_130] : memref<100000x16xf32, #tpu.memory_space<hbm>> -> memref<100000x16xf32, #tpu.memory_space<hbm>>
    tpu.wait_indirect_dma semaphore(%arg11 : memref<!tpu.dma_semaphore, #tpu.memory_space<semaphore_mem>>) src(%dma_wait3A_131 : memref<100000x16xf32, #tpu.memory_space<hbm>>) dst(%dma_wait3A_125 : memref<128x16xf32, #tpu.memory_space<vmem>>)
    %dma_wait3A_132 = arith.constant 2 : i32
    %dma_wait3A_133 = arith.constant 256 : i32
    %dma_wait3A_134 = arith.constant 0 : i32
    %dma_wait3A_135 = tpu.memref_slice %arg10[%dma_wait3A_133, %dma_wait3A_134] : memref<512x16xf32, #tpu.memory_space<vmem>> -> memref<128x16xf32, #tpu.memory_space<vmem>>
    %dma_wait3A_136 = arith.constant 0 : i32
    %dma_wait3A_137 = tpu.memref_slice %arg8[%dma_wait3A_132, %dma_wait3A_136] : memref<4x128xi32, #tpu.memory_space<vmem>> -> memref<1x128xi32, #tpu.memory_space<vmem>>
    %dma_wait3A_138 = tpu.memref_squeeze %dma_wait3A_137 : memref<1x128xi32, #tpu.memory_space<vmem>> -> memref<128xi32, #tpu.memory_space<vmem>>
    %dma_wait3A_139 = arith.constant 0 : i32
    %dma_wait3A_140 = arith.constant 0 : i32
    %dma_wait3A_141 = tpu.memref_slice %arg4[%dma_wait3A_139, %dma_wait3A_140] : memref<100000x16xf32, #tpu.memory_space<hbm>> -> memref<100000x16xf32, #tpu.memory_space<hbm>>
    tpu.wait_indirect_dma semaphore(%arg11 : memref<!tpu.dma_semaphore, #tpu.memory_space<semaphore_mem>>) src(%dma_wait3A_141 : memref<100000x16xf32, #tpu.memory_space<hbm>>) dst(%dma_wait3A_135 : memref<128x16xf32, #tpu.memory_space<vmem>>)
    %dma_wait3A_142 = arith.constant 3 : i32
    %dma_wait3A_143 = arith.constant 384 : i32
    %dma_wait3A_144 = arith.constant 0 : i32
    %dma_wait3A_145 = tpu.memref_slice %arg9[%dma_wait3A_143, %dma_wait3A_144] : memref<512x16xf32, #tpu.memory_space<vmem>> -> memref<128x16xf32, #tpu.memory_space<vmem>>
    %dma_wait3A_146 = arith.constant 0 : i32
    %dma_wait3A_147 = tpu.memref_slice %arg7[%dma_wait3A_142, %dma_wait3A_146] : memref<4x128xi32, #tpu.memory_space<vmem>> -> memref<1x128xi32, #tpu.memory_space<vmem>>
    %dma_wait3A_148 = tpu.memref_squeeze %dma_wait3A_147 : memref<1x128xi32, #tpu.memory_space<vmem>> -> memref<128xi32, #tpu.memory_space<vmem>>
    %dma_wait3A_149 = arith.constant 0 : i32
    %dma_wait3A_150 = arith.constant 0 : i32
    %dma_wait3A_151 = tpu.memref_slice %arg3[%dma_wait3A_149, %dma_wait3A_150] : memref<100000x16xf32, #tpu.memory_space<hbm>> -> memref<100000x16xf32, #tpu.memory_space<hbm>>
    tpu.wait_indirect_dma semaphore(%arg11 : memref<!tpu.dma_semaphore, #tpu.memory_space<semaphore_mem>>) src(%dma_wait3A_151 : memref<100000x16xf32, #tpu.memory_space<hbm>>) dst(%dma_wait3A_145 : memref<128x16xf32, #tpu.memory_space<vmem>>)
    %dma_wait3A_152 = arith.constant 3 : i32
    %dma_wait3A_153 = arith.constant 384 : i32
    %dma_wait3A_154 = arith.constant 0 : i32
    %dma_wait3A_155 = tpu.memref_slice %arg10[%dma_wait3A_153, %dma_wait3A_154] : memref<512x16xf32, #tpu.memory_space<vmem>> -> memref<128x16xf32, #tpu.memory_space<vmem>>
    %dma_wait3A_156 = arith.constant 0 : i32
    %dma_wait3A_157 = tpu.memref_slice %arg8[%dma_wait3A_152, %dma_wait3A_156] : memref<4x128xi32, #tpu.memory_space<vmem>> -> memref<1x128xi32, #tpu.memory_space<vmem>>
    %dma_wait3A_158 = tpu.memref_squeeze %dma_wait3A_157 : memref<1x128xi32, #tpu.memory_space<vmem>> -> memref<128xi32, #tpu.memory_space<vmem>>
    %dma_wait3A_159 = arith.constant 0 : i32
    %dma_wait3A_160 = arith.constant 0 : i32
    %dma_wait3A_161 = tpu.memref_slice %arg4[%dma_wait3A_159, %dma_wait3A_160] : memref<100000x16xf32, #tpu.memory_space<hbm>> -> memref<100000x16xf32, #tpu.memory_space<hbm>>
    tpu.wait_indirect_dma semaphore(%arg11 : memref<!tpu.dma_semaphore, #tpu.memory_space<semaphore_mem>>) src(%dma_wait3A_161 : memref<100000x16xf32, #tpu.memory_space<hbm>>) dst(%dma_wait3A_155 : memref<128x16xf32, #tpu.memory_space<vmem>>)
    "tpu.region"() ({
      %run_scoped3A_162 = tpu.sem_alloc : memref<!tpu.dma_semaphore, #tpu.memory_space<semaphore_mem>>
      %dma_start3A_163 = arith.constant 0 : i32
      %dma_start3A_164 = tpu.memref_slice %arg5[%mul3A_2, %dma_start3A_163] : memref<16384x16xf32, #tpu.memory_space<hbm>> -> memref<512x16xf32, #tpu.memory_space<hbm>>
      %dma_start3A_165 = arith.constant 0 : i32
      %dma_start3A_166 = tpu.memref_slice %arg5[%mul3A_2, %dma_start3A_165] : memref<16384x16xf32, #tpu.memory_space<hbm>> -> memref<512x16xf32, #tpu.memory_space<hbm>>
      tpu.enqueue_dma source(%arg9 : memref<512x16xf32, #tpu.memory_space<vmem>>) target(%dma_start3A_166 : memref<512x16xf32, #tpu.memory_space<hbm>>) target_semaphore(%run_scoped3A_162 : memref<!tpu.dma_semaphore, #tpu.memory_space<semaphore_mem>>)
      %dma_wait3A_167 = arith.constant 0 : i32
      %dma_wait3A_168 = tpu.memref_slice %arg5[%mul3A_2, %dma_wait3A_167] : memref<16384x16xf32, #tpu.memory_space<hbm>> -> memref<512x16xf32, #tpu.memory_space<hbm>>
      %dma_wait3A_169 = arith.constant 0 : i32
      %dma_wait3A_170 = tpu.memref_slice %arg5[%mul3A_2, %dma_wait3A_169] : memref<16384x16xf32, #tpu.memory_space<hbm>> -> memref<512x16xf32, #tpu.memory_space<hbm>>
      tpu.wait_dma2 semaphore(%run_scoped3A_162 : memref<!tpu.dma_semaphore, #tpu.memory_space<semaphore_mem>>) src(%arg9 : memref<512x16xf32, #tpu.memory_space<vmem>>) dst(%dma_wait3A_170 : memref<512x16xf32, #tpu.memory_space<hbm>>)
      tpu.yield
    }) : () -> ()
    "tpu.region"() ({
      %run_scoped3A_162 = tpu.sem_alloc : memref<!tpu.dma_semaphore, #tpu.memory_space<semaphore_mem>>
      %dma_start3A_163 = arith.constant 0 : i32
      %dma_start3A_164 = tpu.memref_slice %arg6[%mul3A_2, %dma_start3A_163] : memref<16384x16xf32, #tpu.memory_space<hbm>> -> memref<512x16xf32, #tpu.memory_space<hbm>>
      %dma_start3A_165 = arith.constant 0 : i32
      %dma_start3A_166 = tpu.memref_slice %arg6[%mul3A_2, %dma_start3A_165] : memref<16384x16xf32, #tpu.memory_space<hbm>> -> memref<512x16xf32, #tpu.memory_space<hbm>>
      tpu.enqueue_dma source(%arg10 : memref<512x16xf32, #tpu.memory_space<vmem>>) target(%dma_start3A_166 : memref<512x16xf32, #tpu.memory_space<hbm>>) target_semaphore(%run_scoped3A_162 : memref<!tpu.dma_semaphore, #tpu.memory_space<semaphore_mem>>)
      %dma_wait3A_167 = arith.constant 0 : i32
      %dma_wait3A_168 = tpu.memref_slice %arg6[%mul3A_2, %dma_wait3A_167] : memref<16384x16xf32, #tpu.memory_space<hbm>> -> memref<512x16xf32, #tpu.memory_space<hbm>>
      %dma_wait3A_169 = arith.constant 0 : i32
      %dma_wait3A_170 = tpu.memref_slice %arg6[%mul3A_2, %dma_wait3A_169] : memref<16384x16xf32, #tpu.memory_space<hbm>> -> memref<512x16xf32, #tpu.memory_space<hbm>>
      tpu.wait_dma2 semaphore(%run_scoped3A_162 : memref<!tpu.dma_semaphore, #tpu.memory_space<semaphore_mem>>) src(%arg10 : memref<512x16xf32, #tpu.memory_space<vmem>>) dst(%dma_wait3A_170 : memref<512x16xf32, #tpu.memory_space<hbm>>)
      tpu.yield
    }) : () -> ()
    return
  }
}

</mosaic_0001>

<sc_bundles>
// kernel: _gather_sc.3.cloned.1.call-start
scs
__scs_entry_jumppad:
0x0: {  	(pc) =	sbr.rel $0x88, $3  }
0x1: {  	(tag) =	ssettag $0x0;
	lr =	simm.s32 $0x1  }
0x2: {  	[smem:$0x3F9E] =	sst lr;
	_ =	strace $0xD0000000  }
0x3: {  	_ = 	snop  }
0x4: {  	_ = 	snop  }
0x5: {  	_ = 	snop  }
0x6: {  	_ = 	snop  }
0x7: {  	_ = 	snop  }
__scs_overlays_trampoline_lowered:
0x8: {  	[smem:$0x3FAD] =	sst s0  }
0x9: {  	[smem:$0x3FAE] =	sst s1  }
0xa: {  	[smem:$0x3FAF] =	sst s2  }
0xb: {  	[smem:$0x3FB0] =	sst s3  }
0xc: {  	[smem:$0x3FB1] =	sst s4  }
0xd: {  	[smem:$0x3FB2] =	sst s5  }
0xe: {  	[smem:$0x3FB3] =	sst s6  }
0xf: {  	[smem:$0x3FB4] =	sst s7  }
0x10: {  	[smem:$0x3FB5] =	sst s8  }
0x11: {  	[smem:$0x3FB6] =	sst s9;
	s0 =	simm.s32 @!p0 $0x0  }
0x12: {  	s1 =	sld [smem:$0x3F9C];
	s0 =	simm.s32 @p0 $0x1  }
0x13: {  	[smem:$0x3FB7] =	sst s0;
	s0 =	simm.s32 @!p1 $0x0  }
0x14: {  	s2 =	sld [smem:$0x3F9B];
	s0 =	simm.s32 @p1 $0x1  }
0x15: {  	[smem:$0x3FB8] =	sst s0;
	s0 =	simm.s32 @!p2 $0x0  }
0x16: {  	s3 =	sld [smem:$0x3FDB];
	s0 =	simm.s32 @p2 $0x1  }
0x17: {  	s4 =	simm.s32 $0x1BF5;
	[smem:$0x3FBA] =	sst s0  }
0x18: {  	s0 =	sld [smem:$0x3F9D];
	_ =	swait.ge [sflag:s4], $0x0  }
0x19: {  	s7 =	sld [smem:$0x3F9E]  }
0x1a: {  	s8 =	sadd.s32 $0xFFFFE003, lr  }
0x1b: {  	s9 =	sadd.s32 $0xFFFFFEF7, lr;
	s5 =	simm.s32 $0xFFFFFFFF;
	p2 =	slt.u32 s8, $0xFFFFF086  }
0x1c: {  	p1 =	slt.u32 s9, $0xF7A;
	s5 =	simm.s32 @!p2 $0x0  }
0x1d: {  	s5 =	simm.s32 @p1 $0x1;
	p0 =	seq.s32 s7, s2  }
0x1e: {  	s7 =	smul.u32 @!p0 $0xF7A, s2;
	p2 =	seq.s32 @!p0 s5, $0x0  }
0x1f: {  	s9 =	smul.u32 $0xF7A, s1;
	s8 =	simm.s32 @!p0 $0x1BF5;
	p2 =	por !p2, p0  }
0x20: {  	[sflag:s8] =	ssyncset.s32 @!p0 $0xFFFFF086;
	s6 =	sadd.s32 @!p0 s3, s7;
	s7 =	simm.s32 @!p0 $0x108  }
0x21: {  	s3 =	sadd.s32 s3, s9;
	s6 =	sadd.s32 @!p0 $0x88, s6;
	s7 =	simm.s32 @p2 $0x1082  }
0x22: {  	[simem:s7], [sflag:s8] =	dma.local @!p0 [hbm:s6], $0xF7A  }
0x23: {  	s9 =	sor.u32 $0xD0000000, s2;
	s6 =	simm.s32 $0x108;
	_ =	swait.ge @!p0 [sflag:s8], $0x0  }
0x24: {  	s3 =	sadd.s32 $0x88, s3;
	s6 =	simm.s32 @!p1 $0x1082;
	[sflag:s4] =	ssyncset.s32 $0xFFFFF086  }
0x25: {  	[simem:s6], [sflag:s4] =	dma.local [hbm:s3], $0xF7A  }
0x26: {  	[smem:$0x3F9E] =	sst s1;
	(tag) =	ssettag s2;
	_ =	strace s9  }
0x27: {  	s1 =	sld [smem:$0x3FAE]  }
0x28: {  	s2 =	sld [smem:$0x3FAF]  }
0x29: {  	s4 =	sld [smem:$0x3FB1]  }
0x2a: {  	p0 =	seq.s32 s5, $0x0;
	s5 =	sld [smem:$0x3FB2]  }
0x2b: {  	s6 =	sld [smem:$0x3FB3]  }
0x2c: {  	s7 =	sld [smem:$0x3FB4]  }
0x2d: {  	s3 =	simm.s32 $0x108;
	s8 =	sld [smem:$0x3FB5]  }
0x2e: {  	s3 =	simm.s32 @!p0 $0x1082;
	s9 =	sld [smem:$0x3FB6]  }
0x2f: {  	lr =	sadd.s32 s0, s3;
	s0 =	sld [smem:$0x3FAD]  }
0x30: {  	s3 =	sld [smem:$0x3FB0]  }
0x31: {  	[smem:$0x3FB9] =	sst s10  }
0x32: {  	s10 =	sld [smem:$0x3FB7];
	_ =	sdelay $0x3  }
0x33: {  	p0 =	seq.s32 s10, $0x1;
	s10 =	sld [smem:$0x3FB9];
	_ =	sdelay $0x3  }
0x34: {  	[smem:$0x3FB9] =	sst s10  }
0x35: {  	s10 =	sld [smem:$0x3FB8];
	_ =	sdelay $0x3  }
0x36: {  	p1 =	seq.s32 s10, $0x1;
	s10 =	sld [smem:$0x3FB9];
	_ =	sdelay $0x3  }
0x37: {  	[smem:$0x3FB9] =	sst s10  }
0x38: {  	s10 =	sld [smem:$0x3FBA]  }
0x39: {  	_ = 	snop;
	(pc) =	sbr.ind lr, $3  }
0x3a: {  	_ = 	snop  }
0x3b: {  	_ = 	snop  }
0x3c: {  	p2 =	seq.s32 s10, $0x1;
	s10 =	sld [smem:$0x3FB9]  }
0x3d: {  	_ =	shalt  }
0x3e: {  	_ =	shalt  }
0x3f: {  	_ =	shalt  }
0x40: {  	_ =	shalt  }
0x41: {  	_ =	shalt  }
0x42: {  	_ =	shalt  }
0x43: {  	_ =	shalt  }
0x44: {  	_ =	shalt  }
0x45: {  	_ =	shalt  }
0x46: {  	_ =	shalt  }
0x47: {  	_ =	shalt  }
0x48: {  	_ =	shalt  }
0x49: {  	_ =	shalt  }
0x4a: {  	_ =	shalt  }
0x4b: {  	_ =	shalt  }
0x4c: {  	_ =	shalt  }
0x4d: {  	_ =	shalt  }
0x4e: {  	_ =	shalt  }
0x4f: {  	_ =	shalt  }
0x50: {  	_ =	shalt  }
0x51: {  	_ =	shalt  }
0x52: {  	_ =	shalt  }
0x53: {  	_ =	shalt  }
0x54: {  	_ =	shalt  }
0x55: {  	_ =	shalt  }
0x56: {  	_ =	shalt  }
0x57: {  	_ =	shalt  }
0x58: {  	_ =	shalt  }
0x59: {  	_ =	shalt  }
0x5a: {  	_ =	shalt  }
0x5b: {  	_ =	shalt  }
0x5c: {  	_ =	shalt  }
0x5d: {  	_ =	shalt  }
0x5e: {  	_ =	shalt  }
0x5f: {  	_ =	shalt  }
0x60: {  	_ =	shalt  }
0x61: {  	_ =	shalt  }
0x62: {  	_ =	shalt  }
0x63: {  	_ =	shalt  }
0x64: {  	_ =	shalt  }
0x65: {  	_ =	shalt  }
0x66: {  	_ =	shalt  }
0x67: {  	_ =	shalt  }
0x68: {  	_ =	shalt  }
0x69: {  	_ =	shalt  }
0x6a: {  	_ =	shalt  }
0x6b: {  	_ =	shalt  }
0x6c: {  	_ =	shalt  }
0x6d: {  	_ =	shalt  }
0x6e: {  	_ =	shalt  }
0x6f: {  	_ =	shalt  }
0x70: {  	_ =	shalt  }
0x71: {  	_ =	shalt  }
0x72: {  	_ =	shalt  }
0x73: {  	_ =	shalt  }
0x74: {  	_ =	shalt  }
0x75: {  	_ =	shalt  }
0x76: {  	_ =	shalt  }
0x77: {  	_ =	shalt  }
0x78: {  	_ =	shalt  }
0x79: {  	_ =	shalt  }
0x7a: {  	_ =	shalt  }
0x7b: {  	_ =	shalt  }
0x7c: {  	_ =	shalt  }
0x7d: {  	_ =	shalt  }
0x7e: {  	_ =	shalt  }
0x7f: {  	_ =	shalt  }
0x80: {  	_ =	shalt  }
0x81: {  	_ =	shalt  }
0x82: {  	_ =	shalt  }
0x83: {  	_ =	shalt  }
0x84: {  	_ =	shalt  }
0x85: {  	_ =	shalt  }
0x86: {  	_ =	shalt  }
0x87: {  	_ =	shalt  }
.Lfunc_end0:
.L_simem_size_0:
called_computation_lowered:
.L_overlay_start_0:
0x88: {  	s2 =	sld [smem:$0x3FD9]  }
0x89: {  	s3 =	sld [smem:$0x3FFE];
	_ =	sdelay $0x1  }
0x8a: {  	s1 =	srdreg.scid  }
0x8b: {  	s0 =	sand.u32 $0x1, s1  }
0x8c: {  	s14 =	sshll.u32 s0, $0xA;
	s2 =	sadd.s32 s3, s2  }
0x8d: {  	s2 =	sadd.s32 s2, s14  }
0x8e: {  	[smem:$0x3FC5] =	sst s2  }
0x8f: {  	_ = 	snop  }
0x90: {  	s2 =	sld [smem:$0x3FD0];
	_ =	sdelay $0x2  }
0x91: {  	s4 =	simm.s32 $0xA;
	s5 =	simm.s32 $0x10;
	s15 =	sld [smem:$0x3FC9]  }
0x92: {  	[smem:s5], [sflag:s4] =	dma.local [hbm:s2], $0x1  }
0x93: {  	_ =	swait.eq [sflag:s4], $0x1  }
0x94: {  	[sflag:s4] =	ssyncset.done $0x0  }
0x95: {  	s16 =	sld [smem:$0x10];
	[sflag:s4] =	ssyncadd.s32 $0xFFFFFFFF  }
0x96: {  	s17 =	sld [smem:$0x11];
	(tm) =	ssettm $0x1  }
0x97: {  	s18 =	sld [smem:$0x3FFB];
	_ =	sdelay $0x3  }
0x98: {  	_ =	strace s18  }
0x99: {  	s5 =	sld [smem:$0x3FFC];
	_ =	sdelay $0x3  }
0x9a: {  	_ =	strace s5  }
0x9b: {  	s5 =	sld [smem:$0x3FFD];
	_ =	sdelay $0x3  }
0x9c: {  	_ =	strace s5  }
0x9d: {  	_ =	strace $0x8FFFFFFF  }
0x9e: {  	s19 =	sld [smem:$0x3FDB];
	_ =	sdelay $0x1  }
0x9f: {  	s6 =	simm.s32 $_scs_section_size  }
0xa0: {  	s7 =	simm.s32 $_size__tile_overlayer_lowered;
	s8 =	simm.s32 $_tile_overlayer_lowered  }
0xa1: {  	s22 =	simm.s32 $0x1BFF;
	s21 =	sshll.u32 s8, $0x1;
	s5 =	sadd.s32 s6, s19  }
0xa2: {  	s9 =	simm.s32 $0x0;
	s20 =	sshll.u32 s7, $0x1;
	s7 =	sadd.s32 s21, s5  }
0xa3: {  	[timem:s9], [sflag:s22] =	dma.local [hbm:s7], s20  }
0xa4: {  	_ =	swait.ge [sflag:s22], s20  }
0xa5: {  	s6 =	ssub.s32 $0x0, s20;
	[sflag:s22] =	ssyncset.done $0x0  }
0xa6: {  	[sflag:s22] =	ssyncadd.s32 s6;
	_ =	sdelay $0x1  }
0xa7: {  	s23 =	simm.s32 $0x1B8B  }
0xa8: {  	_ =	swait.ge [sflag:s23], $0x1  }
0xa9: {  	[sflag:s23] =	ssyncset.done $0x0  }
0xaa: {  	s25 =	simm.s32 $0x1B8E;
	s24 =	sld [smem:$0x3FFE];
	[sflag:s23] =	ssyncadd.s32 $0xFFFFFFFF  }
0xab: {  	s26 =	simm.s32 $execute0_lowered;
	[smem:$0x3FD2] =	sst s25  }
0xac: {  	s7 =	sshll.u32 s26, $0x1;
	_ =	strace $0x80000046;
	[dreg:$0x1] =	wrdreg $0xFFFFFFFF  }
0xad: {  	s28 =	simm.s32 $_size_execute0_lowered;
	s5 =	sadd.s32 s5, s7;
	[dreg:$0x0] =	wrdreg $0x0  }
0xae: {  	s7 =	sshll.u32 s28, $0x1;
	[dreg:$0x2] =	wrdreg s5  }
0xaf: {  	[dreg:$0x3] =	wrdreg s7  }
0xb0: {  	[dreg:$0x4] =	wrdreg $0xC0  }
0xb1: {  	_ =	task [dreg:s9], $0x5FFFF  }
0xb2: {  	[dreg:$0x1] =	wrdreg $0xFFFFFFFF  }
0xb3: {  	[dreg:$0x0] =	wrdreg $0x60  }
0xb4: {  	[dreg:$0x2] =	wrdreg s15  }
0xb5: {  	[dreg:$0x3] =	wrdreg s24  }
0xb6: {  	[dreg:$0x4] =	wrdreg s16  }
0xb7: {  	[dreg:$0x5] =	wrdreg s17  }
0xb8: {  	[dreg:$0x6] =	wrdreg $0x9  }
0xb9: {  	_ =	task.clear_ibuf [dreg:s9], $0x7FFFF;
	_ =	strace $0x90000046  }
0xba: {  	s29 =	simm.s32 $0x9;
	_ =	strace $0x80000048  }
0xbb: {  	_ =	swait.ge [sflag:s29], $0x1  }
0xbc: {  	[sflag:s29] =	ssyncadd.s32 $0xFFFFFFFF  }
0xbd: {  	_ =	strace $0x90000048  }
0xbe: {  	_ =	sfence  }
0xbf: {  	s30 =	sld [smem:$0x0];
	_ =	sdelay $0x2  }
0xc0: {  	s31 =	sshll.u32 s1, $0xD;
	s1 =	sshrl.u32 s1, $0x2  }
0xc1: {  	s3 =	sand.u32 $0x4000, s31;
	s1 =	sadd.s32 s1, s30  }
0xc2: {  	s0 =	sor.u32 s3, s0;
	s1 =	sshll.u32 s1, $0x11  }
0xc3: {  	s0 =	sor.u32 s1, s0  }
0xc4: {  	s0 =	sadd.s32 $0x8F2B, s0  }
0xc5: {  	[sflag:s0] =	ssyncadd.remote.s32 $0x1  }
0xc6: {  	_ =	sfence.sel $0xFFFF  }
0xc7: {  	[dreg:$0x0] =	wrdreg $0xFFFFFFFF;
	(pc) =	sbr.abs _section_cstart, $3  }
0xc8: {  	[dreg:$0x1] =	wrdreg $0xFFFFFFFF  }
0xc9: {  	_ =	task.clear_ibuf [dreg:s9], $0x2FFFF;
	_ =	strace $0x9FFFFFFF  }
0xca: {  	(tm) =	ssettm $0x7FFFFFFF  }
0xcb: {  	_ =	shalt  }
tec
execute0_lowered:
.L_overlay_start_1:
0x0: {  	(tag) =	ssettag $0x1  }
0x1: {  	s3 =	rddreg [dreg:$0x0]  }
0x2: {  	s10 =	rddreg [dreg:$0x1];
	s1 =	srdreg.scid  }
0x3: {  	s24 =	rddreg [dreg:$0x2];
	s0 =	stileid.u32;
	s26 =	sand.u32 $0x1, s1  }
0x4: {  	s25 =	rddreg [dreg:$0x3];
	s4 =	sshll.u32 s0, $0xA;
	s5 =	sshll.u32 s26, $0x9  }
0x5: {  	s2 =	simm.s32 $0x0;
	s1 =	rddreg [dreg:$0x4];
	s28 =	sor.u32 s5, s4  }
0x6: {  	[smem:$0x7FF] =	sst s2;
	s4 =	sshrl.u32 s28, $0x3  }
0x7: {  	_ =	strace $0x80000047;
	s4 =	sadd.s32 s3, s4;
	s3 =	simm.s32 $0x2  }
0x8: {  	[tilespmem:s2], [sflag:$0x2] =	stream.linear.gather [hbm4b:s4+s2], $0x200, $0x38;
	[tilespmem:$0x4400] =	vst v63  }
0x9: {  	_ =	swait.ge [sflag:s3], $0x200  }
0xa: {  	[sflag:s3] =	ssyncset.done $0x0  }
0xb: {  	s6 =	simm.s32 $0x200;
	s5 =	sadd.s32 $0x800, s4;
	[sflag:s3] =	ssyncadd.s32 $0xFFFFFE00  }
0xc: {  	[tilespmem:s6], [sflag:$0x2] =	stream.linear.gather [hbm4b:s5+s2], $0x200, $0x38;
	[tilespmem:$0x4400] =	vst v63  }
0xd: {  	_ =	swait.ge [sflag:s3], $0x200  }
0xe: {  	s8 =	simm.s32 $0x80;
	[sflag:s3] =	ssyncset.done $0x0  }
0xf: {  	s9 =	simm.s32 $0x400;
	s7 =	sadd.s32 $0x187600, s10;
	[sflag:s3] =	ssyncadd.s32 $0xFFFFFE00  }
0x10: {  	[tilespmem:s9], [sflag:$0x1] =	stream.indirect.gather [hbm4b:s7+s8], $0x10, s2, s8, $0xb8;
	[tilespmem:$0x4400] =	vst v63  }
0x11: {  	s11 =	simm.s32 $0x2400;
	s10 =	sadd.s32 $0x1B8400, s10  }
0x12: {  	[tilespmem:s11], [sflag:$0x1] =	stream.indirect.gather [hbm4b:s10+s8], $0x10, s6, s8, $0xb8;
	[tilespmem:$0x4400] =	vst v63  }
0x13: {  	s12 =	simm.s32 $0xC00  }
0x14: {  	[tilespmem:s12], [sflag:$0x1] =	stream.indirect.gather [hbm4b:s7+s8], $0x10, s8, s8, $0xb8;
	[tilespmem:$0x4400] =	vst v63  }
0x15: {  	s13 =	simm.s32 $0x280;
	s14 =	simm.s32 $0x2C00  }
0x16: {  	[tilespmem:s14], [sflag:$0x1] =	stream.indirect.gather [hbm4b:s10+s8], $0x10, s13, s8, $0xb8;
	[tilespmem:$0x4400] =	vst v63  }
0x17: {  	s15 =	simm.s32 $0x100;
	s16 =	simm.s32 $0x1400  }
0x18: {  	[tilespmem:s16], [sflag:$0x1] =	stream.indirect.gather [hbm4b:s7+s8], $0x10, s15, s8, $0xb8;
	[tilespmem:$0x4400] =	vst v63  }
0x19: {  	s17 =	simm.s32 $0x300;
	s18 =	simm.s32 $0x3400  }
0x1a: {  	[tilespmem:s18], [sflag:$0x1] =	stream.indirect.gather [hbm4b:s10+s8], $0x10, s17, s8, $0xb8;
	[tilespmem:$0x4400] =	vst v63  }
0x1b: {  	s19 =	simm.s32 $0x180;
	s20 =	simm.s32 $0x1C00  }
0x1c: {  	[tilespmem:s20], [sflag:$0x1] =	stream.indirect.gather [hbm4b:s7+s8], $0x10, s19, s8, $0xb8;
	[tilespmem:$0x4400] =	vst v63  }
0x1d: {  	s21 =	simm.s32 $0x380;
	s22 =	simm.s32 $0x3C00;
	s23 =	simm.s32 $0x1  }
0x1e: {  	[tilespmem:s22], [sflag:$0x1] =	stream.indirect.gather [hbm4b:s10+s8], $0x10, s21, s8, $0xb8;
	[tilespmem:$0x4400] =	vst v63  }
0x1f: {  	_ =	swait.ge [sflag:s23], $0x800  }
0x20: {  	[sflag:s23] =	ssyncset.done $0x0  }
0x21: {  	[sflag:s23] =	ssyncadd.s32 $0xFFFFF800  }
0x22: {  	_ =	swait.ge [sflag:s23], $0x800  }
0x23: {  	[sflag:s23] =	ssyncset.done $0x0  }
0x24: {  	[sflag:s23] =	ssyncadd.s32 $0xFFFFF800  }
0x25: {  	_ =	swait.ge [sflag:s23], $0x800  }
0x26: {  	[sflag:s23] =	ssyncset.done $0x0  }
0x27: {  	[sflag:s23] =	ssyncadd.s32 $0xFFFFF800  }
0x28: {  	_ =	swait.ge [sflag:s23], $0x800  }
0x29: {  	[sflag:s23] =	ssyncset.done $0x0  }
0x2a: {  	[sflag:s23] =	ssyncadd.s32 $0xFFFFF800  }
0x2b: {  	_ =	swait.ge [sflag:s23], $0x800  }
0x2c: {  	[sflag:s23] =	ssyncset.done $0x0  }
0x2d: {  	[sflag:s23] =	ssyncadd.s32 $0xFFFFF800  }
0x2e: {  	_ =	swait.ge [sflag:s23], $0x800  }
0x2f: {  	[sflag:s23] =	ssyncset.done $0x0  }
0x30: {  	[sflag:s23] =	ssyncadd.s32 $0xFFFFF800  }
0x31: {  	_ =	swait.ge [sflag:s23], $0x800  }
0x32: {  	[sflag:s23] =	ssyncset.done $0x0  }
0x33: {  	s26 =	ssub.s32 $0x2, s26;
	[sflag:s23] =	ssyncadd.s32 $0xFFFFF800  }
0x34: {  	s29 =	sshrl.u32 s26, $0x1;
	_ =	swait.ge [sflag:s23], $0x800  }
0x35: {  	s28 =	sshll.u32 s28, $0x1;
	s26 =	ssub.s32 s26, s29;
	[sflag:s23] =	ssyncset.done $0x0  }
0x36: {  	s24 =	sadd.s32 s24, s28;
	s26 =	smax.u32 s26, $0x1;
	[sflag:s23] =	ssyncadd.s32 $0xFFFFF800  }
0x37: {  	[hbm4b:s24+s2] =	stream.linear.scatter [tilespmem:s9], [sflag:$0x2], $0x2000, $0x38;
	[tilespmem:$0x4400] =	vst v63  }
0x38: {  	p0 =	sne.s32 s26, $0x1;
	_ =	swait.ge [sflag:s3], $0x2000  }
.Ltmp0:
0x39: {  	[sflag:s3] =	ssyncset.done $0x0;
	(pc) =	sbr.rel @!p0 .LBB2_2-.Ltmp0, $4  }
0x3a: {  	s25 =	sadd.s32 s25, s28;
	[sflag:s3] =	ssyncadd.s32 $0xFFFFE000  }
0x3b: {  	[hbm4b:s25+s2] =	stream.linear.scatter [tilespmem:s11], [sflag:$0x2], $0x2000, $0x38;
	[tilespmem:$0x4400] =	vst v63  }
0x3c: {  	_ =	swait.ge [sflag:s3], $0x2000  }
0x3d: {  	s26 =	sadd.s32 $0xFFFFFFFF, s26;
	[sflag:s3] =	ssyncset.done $0x0  }
.LBB2_1:
0x3e: {  	p0 =	sne.s32 s26, $0x1;
	s26 =	sadd.s32 $0xFFFFFFFF, s26;
	[sflag:s3] =	ssyncadd.s32 $0xFFFFE000  }
0x3f: {  	[tilespmem:s2], [sflag:$0x2] =	stream.linear.gather [hbm4b:s4+s2], $0x200, $0x38;
	[tilespmem:$0x4400] =	vst v63  }
0x40: {  	_ =	swait.ge [sflag:s3], $0x200  }
0x41: {  	[sflag:s3] =	ssyncset.done $0x0  }
0x42: {  	[sflag:s3] =	ssyncadd.s32 $0xFFFFFE00  }
0x43: {  	[tilespmem:s6], [sflag:$0x2] =	stream.linear.gather [hbm4b:s5+s2], $0x200, $0x38;
	[tilespmem:$0x4400] =	vst v63  }
0x44: {  	_ =	swait.ge [sflag:s3], $0x200  }
0x45: {  	[sflag:s3] =	ssyncset.done $0x0  }
0x46: {  	[sflag:s3] =	ssyncadd.s32 $0xFFFFFE00  }
0x47: {  	[tilespmem:s9], [sflag:$0x1] =	stream.indirect.gather [hbm4b:s7+s8], $0x10, s2, s8, $0xb8;
	[tilespmem:$0x4400] =	vst v63  }
0x48: {  	_ = 	snop  }
0x49: {  	[tilespmem:s11], [sflag:$0x1] =	stream.indirect.gather [hbm4b:s10+s8], $0x10, s6, s8, $0xb8;
	[tilespmem:$0x4400] =	vst v63  }
0x4a: {  	_ = 	snop  }
0x4b: {  	[tilespmem:s12], [sflag:$0x1] =	stream.indirect.gather [hbm4b:s7+s8], $0x10, s8, s8, $0xb8;
	[tilespmem:$0x4400] =	vst v63  }
0x4c: {  	_ = 	snop  }
0x4d: {  	[tilespmem:s14], [sflag:$0x1] =	stream.indirect.gather [hbm4b:s10+s8], $0x10, s13, s8, $0xb8;
	[tilespmem:$0x4400] =	vst v63  }
0x4e: {  	_ = 	snop  }
0x4f: {  	[tilespmem:s16], [sflag:$0x1] =	stream.indirect.gather [hbm4b:s7+s8], $0x10, s15, s8, $0xb8;
	[tilespmem:$0x4400] =	vst v63  }
0x50: {  	_ = 	snop  }
0x51: {  	[tilespmem:s18], [sflag:$0x1] =	stream.indirect.gather [hbm4b:s10+s8], $0x10, s17, s8, $0xb8;
	[tilespmem:$0x4400] =	vst v63  }
0x52: {  	_ = 	snop  }
0x53: {  	[tilespmem:s20], [sflag:$0x1] =	stream.indirect.gather [hbm4b:s7+s8], $0x10, s19, s8, $0xb8;
	[tilespmem:$0x4400] =	vst v63  }
0x54: {  	_ = 	snop  }
0x55: {  	[tilespmem:s22], [sflag:$0x1] =	stream.indirect.gather [hbm4b:s10+s8], $0x10, s21, s8, $0xb8;
	[tilespmem:$0x4400] =	vst v63  }
0x56: {  	_ =	swait.ge [sflag:s23], $0x800  }
0x57: {  	[sflag:s23] =	ssyncset.done $0x0  }
0x58: {  	[sflag:s23] =	ssyncadd.s32 $0xFFFFF800  }
0x59: {  	_ =	swait.ge [sflag:s23], $0x800  }
0x5a: {  	[sflag:s23] =	ssyncset.done $0x0  }
0x5b: {  	[sflag:s23] =	ssyncadd.s32 $0xFFFFF800  }
0x5c: {  	_ =	swait.ge [sflag:s23], $0x800  }
0x5d: {  	[sflag:s23] =	ssyncset.done $0x0  }
0x5e: {  	[sflag:s23] =	ssyncadd.s32 $0xFFFFF800  }
0x5f: {  	_ =	swait.ge [sflag:s23], $0x800  }
0x60: {  	[sflag:s23] =	ssyncset.done $0x0  }
0x61: {  	[sflag:s23] =	ssyncadd.s32 $0xFFFFF800  }
0x62: {  	_ =	swait.ge [sflag:s23], $0x800  }
0x63: {  	[sflag:s23] =	ssyncset.done $0x0  }
0x64: {  	[sflag:s23] =	ssyncadd.s32 $0xFFFFF800  }
0x65: {  	_ =	swait.ge [sflag:s23], $0x800  }
0x66: {  	[sflag:s23] =	ssyncset.done $0x0  }
0x67: {  	[sflag:s23] =	ssyncadd.s32 $0xFFFFF800  }
0x68: {  	_ =	swait.ge [sflag:s23], $0x800  }
0x69: {  	[sflag:s23] =	ssyncset.done $0x0  }
0x6a: {  	[sflag:s23] =	ssyncadd.s32 $0xFFFFF800  }
0x6b: {  	_ =	swait.ge [sflag:s23], $0x800  }
0x6c: {  	[sflag:s23] =	ssyncset.done $0x0  }
0x6d: {  	[sflag:s23] =	ssyncadd.s32 $0xFFFFF800  }
0x6e: {  	[hbm4b:s24+s2] =	stream.linear.scatter [tilespmem:s9], [sflag:$0x2], $0x2000, $0x38;
	[tilespmem:$0x4400] =	vst v63  }
0x6f: {  	_ =	swait.ge [sflag:s3], $0x2000  }
.Ltmp1:
0x70: {  	[sflag:s3] =	ssyncset.done $0x0;
	(pc) =	sbr.rel @p0 .LBB2_1-.Ltmp1, $4  }
0x71: {  	[sflag:s3] =	ssyncadd.s32 $0xFFFFE000  }
0x72: {  	[hbm4b:s25+s2] =	stream.linear.scatter [tilespmem:s11], [sflag:$0x2], $0x2000, $0x38;
	[tilespmem:$0x4400] =	vst v63  }
0x73: {  	_ =	swait.ge [sflag:s3], $0x2000  }
0x74: {  	[sflag:s3] =	ssyncset.done $0x0  }
.LBB2_2:
0x75: {  	[sflag:s3] =	ssyncadd.s32 $0xFFFFE000  }
0x76: {  	_ =	sfence.sel $0x180000  }
0x77: {  	[bflag:$0x0] =	sbarrier.arrive $0xFFFF  }
0x78: {  	p0 =	sne.s32 s0, $0x0;
	_ =	strace $0x90000047  }
0x79: {  	s0 =	sadd.s32 @!p0 $0x100000, s1;
	[bflag:$0x2] =	sbarrier.arrive $0xFFFF  }
0x7a: {  	[sflag:s0] =	ssyncadd.tile.s32 @!p0 $0x1;
	_ =	shalt  }
.Lfunc_end2:
_tile_overlayer_lowered:
.L_overlay_start_2:
0x7b: {  	(tag) =	ssettag $0x2  }
0x7c: {  	s0 =	rddreg [dreg:$0x0];
	s2 =	stileid.u32  }
0x7d: {  	s1 =	rddreg [dreg:$0x1];
	p0 =	sne.s32 s2, $0x0  }
0x7e: {  	s3 =	rddreg [dreg:$0x2];
	[bflag:$0x3] =	sbarrier.arrive $0xFFFF;
	s2 =	simm.s32 @!p0 $0x1C02  }
0x7f: {  	[timem:s3], [sflag:s2] =	dma.local @!p0 [hbm:s0], s1  }
0x80: {  	s0 =	simm.s32 @!p0 $0x2  }
0x81: {  	_ =	swait.ge @!p0 [sflag:s0], s1  }
0x82: {  	s1 =	ssub.s32 @!p0 $0x0, s1;
	[sflag:s0] =	ssyncset.done @!p0 $0x0  }
0x83: {  	[sflag:s0] =	ssyncadd.s32 @!p0 s1  }
0x84: {  	[bflag:$0x3] =	sbarrier.arrive $0xFFFF  }
0x85: {  	_ =	shalt  }

</sc_bundles>
